<compile_context>
chip_gen: v7x
topology: tpu7x:2x2x1
jax: 0.10.2.dev20260603
libtpu: 0.0.44.dev20260713+nightly
codegen_flags: <defaults>
</compile_context>

<pallas_src>
import functools

import jax
import jax.numpy as jnp
from jax import lax
from jax.experimental import pallas as pl
from jax.experimental.pallas import tpu as pltpu
from jax.experimental.pallas import tpu_sc as plsc

_DIM = 32
_N = 8192
_K = 8192

_TM = 1024
_TK = 2048
_NT = _N // _TM
_KT = _K // _TK


def _argmin_body(x_ref, e_ref, ind_ref, diff_ref, best_ref, bidx_ref, acc_ref,
                 iota_ref):
    i = pl.program_id(0)
    j = pl.program_id(1)

    @pl.when(jnp.logical_and(i == 0, j == 0))
    def _():
        iota_ref[...] = lax.broadcasted_iota(
            jnp.int32, (1, _TK), 1).astype(jnp.float32)
    xp = x_ref[...]
    ep = e_ref[...]
    xb = xp.astype(jnp.bfloat16).astype(jnp.float32)
    ab2 = lax.dot_general(xb + xb, ep, (((1,), (0,)), ((), ())),
                          preferred_element_type=jnp.float32)
    x2 = jnp.sum(xp * xp, axis=1, keepdims=True)
    e2 = jnp.sum(ep * ep, axis=0, keepdims=True)
    d = (x2 - ab2) + e2
    m = jnp.min(d, axis=1, keepdims=True)
    iota = jnp.broadcast_to(iota_ref[...], d.shape)
    lif = jnp.min(jnp.where(d == m, iota, jnp.float32(3e38)),
                  axis=1, keepdims=True)
    li = lif.astype(jnp.int32) + j * _TK

    @pl.when(j == 0)
    def _():
        best_ref[...] = m
        bidx_ref[...] = li

    @pl.when(j > 0)
    def _():
        prev = best_ref[...].astype(jnp.bfloat16).astype(jnp.float32)
        better = m < prev
        bidx_ref[...] = jnp.where(better, li, bidx_ref[...])
        best_ref[...] = jnp.where(better, m, best_ref[...])

    @pl.when(j == _KT - 1)
    def _():
        ind_ref[...] = bidx_ref[...]
        part = jnp.sum(best_ref[...])

        @pl.when(i == 0)
        def _():
            acc_ref[0, 0] = part

        @pl.when(i > 0)
        def _():
            acc_ref[0, 0] = acc_ref[0, 0] + part

        @pl.when(i == _NT - 1)
        def _():
            diff_ref[0, 0] = acc_ref[0, 0]


def _argmin_call(flatten, embed):
    return pl.pallas_call(
        _argmin_body,
        grid=(_NT, _KT),
        in_specs=[
            pl.BlockSpec((_TM, 128), lambda i, j: (i, 0)),
            pl.BlockSpec((128, _TK), lambda i, j: (0, j)),
        ],
        out_specs=[
            pl.BlockSpec((_TM, 1), lambda i, j: (i, 0)),
            pl.BlockSpec(memory_space=pltpu.SMEM),
        ],
        out_shape=[
            jax.ShapeDtypeStruct((_N, 1), jnp.int32),
            jax.ShapeDtypeStruct((1, 1), jnp.float32),
        ],
        scratch_shapes=[
            pltpu.VMEM((_TM, 1), jnp.float32),
            pltpu.VMEM((_TM, 1), jnp.int32),
            pltpu.SMEM((1, 1), jnp.float32),
            pltpu.VMEM((1, _TK), jnp.float32),
        ],
        compiler_params=pltpu.CompilerParams(
            dimension_semantics=("arbitrary", "arbitrary"),
        ),
    )(flatten, embed)


_NW = 32
_BPW = _N // _NW
_CH = 128
_NCH = _BPW // _CH


def _gather_call(table_p, idx3):
    mesh = plsc.VectorSubcoreMesh(core_axis_name="c", subcore_axis_name="s")

    @functools.partial(
        pl.kernel,
        mesh=mesh,
        out_type=jax.ShapeDtypeStruct((_N, 128), jnp.float32),
        scratch_types=[
            pltpu.VMEM((_NCH, _CH), jnp.int32),
            pltpu.VMEM((_CH, 128), jnp.float32),
            pltpu.SemaphoreType.DMA,
        ],
    )
    def gather_k(table_hbm, idx_hbm, out_hbm, idx_v, rows_v, sem):
        wid = lax.axis_index("s") * 2 + lax.axis_index("c")
        base = wid * _BPW
        pltpu.sync_copy(idx_hbm.at[wid], idx_v)
        for c in range(_NCH):
            pltpu.async_copy(table_hbm.at[idx_v.at[c]], rows_v, sem).wait()
            pltpu.sync_copy(rows_v, out_hbm.at[pl.ds(base + c * _CH, _CH)])

    return gather_k(table_p, idx3)


def kernel(input, embed):
    B, D, H, W = input.shape
    K = embed.shape[1]
    assert D == _DIM and K == _K and B * H * W == _N
    flatten = jnp.transpose(input, (0, 2, 3, 1)).reshape(_N, D)
    flatten_p = jnp.pad(flatten, ((0, 0), (0, 128 - _DIM)))
    embed_p = jnp.pad(embed, ((0, 128 - _DIM), (0, 0)))
    ind2d, diff2 = _argmin_call(flatten_p, embed_p)
    ind = ind2d.reshape(_N)
    table_p = jnp.pad(embed.T, ((0, 0), (0, 128 - _DIM)))
    q_rows = _gather_call(table_p, ind.reshape(_NW, _NCH, _CH))[:, :_DIM]
    quantize = q_rows.reshape(B, H, W, D).transpose(0, 3, 1, 2)
    diff = (diff2.reshape(()) / jnp.float32(_N * D)).astype(jnp.float32)
    return quantize, diff, ind.reshape(B, H, W)

# --- scband reference (transcript-rebuilt; emitter-appended) ---
"""Pipeline reference for scband-quantize-9234179687622 (READ-ONLY COPY).

The authoritative reference and input builder live on the scoring server;
editing this copy changes nothing except your own understanding.
"""

import jax, jax.numpy as jnp
import numpy as np

DIM = 32
N_EMBED = 8192


def setup_inputs(seed: int = 0) -> dict:
    key = jax.random.key(seed)
    k1, k2 = jax.random.split(key)
    x = jax.random.normal(k1, (8, DIM, 32, 32), dtype=jnp.float32)
    # xavier_uniform with tanh gain (5/3): bound = gain * sqrt(6 / (fan_in + fan_out))
    gain = 5.0 / 3.0
    bound = gain * np.sqrt(6.0 / (DIM + N_EMBED))
    embed = jax.random.uniform(k2, (DIM, N_EMBED), minval=-bound, maxval=bound, dtype=jnp.float32)
    return {"input": x, "embed": embed}


def reference(input, embed):
    # eval mode, continuous_relax=False (default path)
    inp = jnp.transpose(input, (0, 2, 3, 1))  # [B, H, W, dim]
    flatten = inp.reshape(-1, embed.shape[0])  # [N, dim]
    dist = (
        jnp.sum(flatten ** 2, axis=1, keepdims=True)
        - 2.0 * (flatten @ embed)
        + jnp.sum(embed ** 2, axis=0, keepdims=True)
    )  # [N, K]
    embed_ind = jnp.argmax(-dist, axis=1)  # [N]
    embed_ind = embed_ind.reshape(inp.shape[:-1])  # [B, H, W]
    quantize = jnp.take(embed.T, embed_ind, axis=0)  # embedding lookup -> [B, H, W, dim]
    diff = jnp.mean((jax.lax.stop_gradient(quantize) - inp) ** 2)
    quantize = inp + jax.lax.stop_gradient(quantize - inp)  # straight-through
    quantize = jnp.transpose(quantize, (0, 3, 1, 2))  # [B, dim, H, W]
    return quantize, diff, embed_ind

if __name__ == "__main__":
    import jax
    _d = setup_inputs()
    print(jax.jit(kernel)(*tuple(_d.values())))

</pallas_src>

<mosaic_0001>
#map = affine_map<(d0, d1) -> (0, 0)>
#map1 = affine_map<(d0, d1) -> (0, 0, 0)>
module attributes {stable_mosaic.version = 14 : i64} {
  func.func @gather_k(%arg0: i32, %arg1: i32, %arg2: memref<8192x128xf32, #tpu.memory_space<hbm>>, %arg3: memref<32x2x128xi32, #tpu.memory_space<hbm>>, %arg4: memref<8192x128xf32, #tpu.memory_space<hbm>>, %arg5: memref<2x128xi32, #tpu.memory_space<vmem>>, %arg6: memref<128x128xf32, #tpu.memory_space<vmem>>, %arg7: memref<!tpu.dma_semaphore, #tpu.memory_space<semaphore_mem>>) attributes {dimension_semantics = [#tpu.dimension_semantics<core_parallel>, #tpu.dimension_semantics<subcore_parallel>], iteration_bounds = array<i64: 2, 16>, scalar_prefetch = 0 : i64, scratch_operands = 3 : i64, tpu.core_type = #tpu.core_type<sc_vector_subcore>, window_params = [{transform_indices = #map}, {transform_indices = #map1}, {transform_indices = #map}]} {
    %mul3A = arith.constant 2 : i32
    %mul3A_0 = arith.muli %arg1, %mul3A : i32
    %add3A = arith.addi %mul3A_0, %arg0 : i32
    %mul3A_1 = arith.constant 256 : i32
    %mul3A_2 = arith.muli %add3A, %mul3A_1 : i32
    "tpu.region"() ({
      %run_scoped3A = tpu.sem_alloc : memref<!tpu.dma_semaphore, #tpu.memory_space<semaphore_mem>>
      %dma_start3A_33 = arith.constant 0 : i32
      %dma_start3A_34 = arith.constant 0 : i32
      %dma_start3A_35 = tpu.memref_slice %arg3[%add3A, %dma_start3A_33, %dma_start3A_34] : memref<32x2x128xi32, #tpu.memory_space<hbm>> -> memref<1x2x128xi32, #tpu.memory_space<hbm>>
      %dma_start3A_36 = tpu.memref_squeeze %dma_start3A_35 : memref<1x2x128xi32, #tpu.memory_space<hbm>> -> memref<2x128xi32, #tpu.memory_space<hbm>>
      %dma_start3A_37 = arith.constant 0 : i32
      %dma_start3A_38 = arith.constant 0 : i32
      %dma_start3A_39 = tpu.memref_slice %arg3[%add3A, %dma_start3A_37, %dma_start3A_38] : memref<32x2x128xi32, #tpu.memory_space<hbm>> -> memref<1x2x128xi32, #tpu.memory_space<hbm>>
      %dma_start3A_40 = tpu.memref_squeeze %dma_start3A_39 : memref<1x2x128xi32, #tpu.memory_space<hbm>> -> memref<2x128xi32, #tpu.memory_space<hbm>>
      tpu.enqueue_dma source(%dma_start3A_40 : memref<2x128xi32, #tpu.memory_space<hbm>>) target(%arg5 : memref<2x128xi32, #tpu.memory_space<vmem>>) target_semaphore(%run_scoped3A : memref<!tpu.dma_semaphore, #tpu.memory_space<semaphore_mem>>)
      %dma_wait3A_41 = arith.constant 0 : i32
      %dma_wait3A_42 = arith.constant 0 : i32
      %dma_wait3A_43 = tpu.memref_slice %arg3[%add3A, %dma_wait3A_41, %dma_wait3A_42] : memref<32x2x128xi32, #tpu.memory_space<hbm>> -> memref<1x2x128xi32, #tpu.memory_space<hbm>>
      %dma_wait3A_44 = tpu.memref_squeeze %dma_wait3A_43 : memref<1x2x128xi32, #tpu.memory_space<hbm>> -> memref<2x128xi32, #tpu.memory_space<hbm>>
      %dma_wait3A_45 = arith.constant 0 : i32
      %dma_wait3A_46 = arith.constant 0 : i32
      %dma_wait3A_47 = tpu.memref_slice %arg3[%add3A, %dma_wait3A_45, %dma_wait3A_46] : memref<32x2x128xi32, #tpu.memory_space<hbm>> -> memref<1x2x128xi32, #tpu.memory_space<hbm>>
      %dma_wait3A_48 = tpu.memref_squeeze %dma_wait3A_47 : memref<1x2x128xi32, #tpu.memory_space<hbm>> -> memref<2x128xi32, #tpu.memory_space<hbm>>
      tpu.wait_dma2 semaphore(%run_scoped3A : memref<!tpu.dma_semaphore, #tpu.memory_space<semaphore_mem>>) src(%dma_wait3A_48 : memref<2x128xi32, #tpu.memory_space<hbm>>) dst(%arg5 : memref<2x128xi32, #tpu.memory_space<vmem>>)
      tpu.yield
    }) : () -> ()
    %dma_start3A = arith.constant 0 : i32
    %dma_start3A_3 = arith.constant 0 : i32
    %dma_start3A_4 = tpu.memref_slice %arg5[%dma_start3A, %dma_start3A_3] : memref<2x128xi32, #tpu.memory_space<vmem>> -> memref<1x128xi32, #tpu.memory_space<vmem>>
    %dma_start3A_5 = tpu.memref_squeeze %dma_start3A_4 : memref<1x128xi32, #tpu.memory_space<vmem>> -> memref<128xi32, #tpu.memory_space<vmem>>
    %dma_start3A_6 = arith.constant 0 : i32
    %dma_start3A_7 = arith.constant 0 : i32
    %dma_start3A_8 = tpu.memref_slice %arg2[%dma_start3A_6, %dma_start3A_7] : memref<8192x128xf32, #tpu.memory_space<hbm>> -> memref<8192x128xf32, #tpu.memory_space<hbm>>
    tpu.enqueue_indirect_dma source(%dma_start3A_8 : memref<8192x128xf32, #tpu.memory_space<hbm>>) target(%arg6 : memref<128x128xf32, #tpu.memory_space<vmem>>) offsets(%dma_start3A_5 : memref<128xi32, #tpu.memory_space<vmem>>) semaphore(%arg7 : memref<!tpu.dma_semaphore, #tpu.memory_space<semaphore_mem>>)
    %dma_wait3A = arith.constant 0 : i32
    %dma_wait3A_9 = arith.constant 0 : i32
    %dma_wait3A_10 = tpu.memref_slice %arg5[%dma_wait3A, %dma_wait3A_9] : memref<2x128xi32, #tpu.memory_space<vmem>> -> memref<1x128xi32, #tpu.memory_space<vmem>>
    %dma_wait3A_11 = tpu.memref_squeeze %dma_wait3A_10 : memref<1x128xi32, #tpu.memory_space<vmem>> -> memref<128xi32, #tpu.memory_space<vmem>>
    %dma_wait3A_12 = arith.constant 0 : i32
    %dma_wait3A_13 = arith.constant 0 : i32
    %dma_wait3A_14 = tpu.memref_slice %arg2[%dma_wait3A_12, %dma_wait3A_13] : memref<8192x128xf32, #tpu.memory_space<hbm>> -> memref<8192x128xf32, #tpu.memory_space<hbm>>
    tpu.wait_indirect_dma semaphore(%arg7 : memref<!tpu.dma_semaphore, #tpu.memory_space<semaphore_mem>>) src(%dma_wait3A_14 : memref<8192x128xf32, #tpu.memory_space<hbm>>) dst(%arg6 : memref<128x128xf32, #tpu.memory_space<vmem>>)
    %add3A_15 = arith.constant 0 : i32
    %add3A_16 = arith.addi %mul3A_2, %add3A_15 : i32
    "tpu.region"() ({
      %run_scoped3A = tpu.sem_alloc : memref<!tpu.dma_semaphore, #tpu.memory_space<semaphore_mem>>
      %dma_start3A_33 = arith.constant 0 : i32
      %dma_start3A_34 = tpu.memref_slice %arg4[%add3A_16, %dma_start3A_33] : memref<8192x128xf32, #tpu.memory_space<hbm>> -> memref<128x128xf32, #tpu.memory_space<hbm>>
      %dma_start3A_35 = arith.constant 0 : i32
      %dma_start3A_36 = tpu.memref_slice %arg4[%add3A_16, %dma_start3A_35] : memref<8192x128xf32, #tpu.memory_space<hbm>> -> memref<128x128xf32, #tpu.memory_space<hbm>>
      tpu.enqueue_dma source(%arg6 : memref<128x128xf32, #tpu.memory_space<vmem>>) target(%dma_start3A_36 : memref<128x128xf32, #tpu.memory_space<hbm>>) target_semaphore(%run_scoped3A : memref<!tpu.dma_semaphore, #tpu.memory_space<semaphore_mem>>)
      %dma_wait3A_37 = arith.constant 0 : i32
      %dma_wait3A_38 = tpu.memref_slice %arg4[%add3A_16, %dma_wait3A_37] : memref<8192x128xf32, #tpu.memory_space<hbm>> -> memref<128x128xf32, #tpu.memory_space<hbm>>
      %dma_wait3A_39 = arith.constant 0 : i32
      %dma_wait3A_40 = tpu.memref_slice %arg4[%add3A_16, %dma_wait3A_39] : memref<8192x128xf32, #tpu.memory_space<hbm>> -> memref<128x128xf32, #tpu.memory_space<hbm>>
      tpu.wait_dma2 semaphore(%run_scoped3A : memref<!tpu.dma_semaphore, #tpu.memory_space<semaphore_mem>>) src(%arg6 : memref<128x128xf32, #tpu.memory_space<vmem>>) dst(%dma_wait3A_40 : memref<128x128xf32, #tpu.memory_space<hbm>>)
      tpu.yield
    }) : () -> ()
    %dma_start3A_17 = arith.constant 1 : i32
    %dma_start3A_18 = arith.constant 0 : i32
    %dma_start3A_19 = tpu.memref_slice %arg5[%dma_start3A_17, %dma_start3A_18] : memref<2x128xi32, #tpu.memory_space<vmem>> -> memref<1x128xi32, #tpu.memory_space<vmem>>
    %dma_start3A_20 = tpu.memref_squeeze %dma_start3A_19 : memref<1x128xi32, #tpu.memory_space<vmem>> -> memref<128xi32, #tpu.memory_space<vmem>>
    %dma_start3A_21 = arith.constant 0 : i32
    %dma_start3A_22 = arith.constant 0 : i32
    %dma_start3A_23 = tpu.memref_slice %arg2[%dma_start3A_21, %dma_start3A_22] : memref<8192x128xf32, #tpu.memory_space<hbm>> -> memref<8192x128xf32, #tpu.memory_space<hbm>>
    tpu.enqueue_indirect_dma source(%dma_start3A_23 : memref<8192x128xf32, #tpu.memory_space<hbm>>) target(%arg6 : memref<128x128xf32, #tpu.memory_space<vmem>>) offsets(%dma_start3A_20 : memref<128xi32, #tpu.memory_space<vmem>>) semaphore(%arg7 : memref<!tpu.dma_semaphore, #tpu.memory_space<semaphore_mem>>)
    %dma_wait3A_24 = arith.constant 1 : i32
    %dma_wait3A_25 = arith.constant 0 : i32
    %dma_wait3A_26 = tpu.memref_slice %arg5[%dma_wait3A_24, %dma_wait3A_25] : memref<2x128xi32, #tpu.memory_space<vmem>> -> memref<1x128xi32, #tpu.memory_space<vmem>>
    %dma_wait3A_27 = tpu.memref_squeeze %dma_wait3A_26 : memref<1x128xi32, #tpu.memory_space<vmem>> -> memref<128xi32, #tpu.memory_space<vmem>>
    %dma_wait3A_28 = arith.constant 0 : i32
    %dma_wait3A_29 = arith.constant 0 : i32
    %dma_wait3A_30 = tpu.memref_slice %arg2[%dma_wait3A_28, %dma_wait3A_29] : memref<8192x128xf32, #tpu.memory_space<hbm>> -> memref<8192x128xf32, #tpu.memory_space<hbm>>
    tpu.wait_indirect_dma semaphore(%arg7 : memref<!tpu.dma_semaphore, #tpu.memory_space<semaphore_mem>>) src(%dma_wait3A_30 : memref<8192x128xf32, #tpu.memory_space<hbm>>) dst(%arg6 : memref<128x128xf32, #tpu.memory_space<vmem>>)
    %add3A_31 = arith.constant 128 : i32
    %add3A_32 = arith.addi %mul3A_2, %add3A_31 : i32
    "tpu.region"() ({
      %run_scoped3A = tpu.sem_alloc : memref<!tpu.dma_semaphore, #tpu.memory_space<semaphore_mem>>
      %dma_start3A_33 = arith.constant 0 : i32
      %dma_start3A_34 = tpu.memref_slice %arg4[%add3A_32, %dma_start3A_33] : memref<8192x128xf32, #tpu.memory_space<hbm>> -> memref<128x128xf32, #tpu.memory_space<hbm>>
      %dma_start3A_35 = arith.constant 0 : i32
      %dma_start3A_36 = tpu.memref_slice %arg4[%add3A_32, %dma_start3A_35] : memref<8192x128xf32, #tpu.memory_space<hbm>> -> memref<128x128xf32, #tpu.memory_space<hbm>>
      tpu.enqueue_dma source(%arg6 : memref<128x128xf32, #tpu.memory_space<vmem>>) target(%dma_start3A_36 : memref<128x128xf32, #tpu.memory_space<hbm>>) target_semaphore(%run_scoped3A : memref<!tpu.dma_semaphore, #tpu.memory_space<semaphore_mem>>)
      %dma_wait3A_37 = arith.constant 0 : i32
      %dma_wait3A_38 = tpu.memref_slice %arg4[%add3A_32, %dma_wait3A_37] : memref<8192x128xf32, #tpu.memory_space<hbm>> -> memref<128x128xf32, #tpu.memory_space<hbm>>
      %dma_wait3A_39 = arith.constant 0 : i32
      %dma_wait3A_40 = tpu.memref_slice %arg4[%add3A_32, %dma_wait3A_39] : memref<8192x128xf32, #tpu.memory_space<hbm>> -> memref<128x128xf32, #tpu.memory_space<hbm>>
      tpu.wait_dma2 semaphore(%run_scoped3A : memref<!tpu.dma_semaphore, #tpu.memory_space<semaphore_mem>>) src(%arg6 : memref<128x128xf32, #tpu.memory_space<vmem>>) dst(%dma_wait3A_40 : memref<128x128xf32, #tpu.memory_space<hbm>>)
      tpu.yield
    }) : () -> ()
    return
  }
}

module attributes {stable_mosaic.version = 14 : i64} {
  func.func @_argmin_body(%arg0: i32, %arg1: i32, %arg2: memref<1024x128xf32, #tpu.memory_space<vmem>>, %arg3: memref<128x2048xf32, #tpu.memory_space<vmem>>, %arg4: memref<1024x1xi32, #tpu.memory_space<vmem>>, %arg5: memref<1x1xf32, #tpu.memory_space<smem>>, %arg6: memref<1024x1xf32, #tpu.memory_space<vmem>>, %arg7: memref<1024x1xi32, #tpu.memory_space<vmem>>, %arg8: memref<1x1xf32, #tpu.memory_space<smem>>, %arg9: memref<1x2048xf32, #tpu.memory_space<vmem>>) attributes {dimension_semantics = [#tpu.dimension_semantics<arbitrary>, #tpu.dimension_semantics<arbitrary>], iteration_bounds = array<i64: 8, 4>, scalar_prefetch = 0 : i64, scratch_operands = 4 : i64, tpu.core_type = #tpu.core_type<tc>, window_params = [{transform_indices = @transform_0, window_bounds = array<i64: 1024, 128>}, {transform_indices = @transform_1, window_bounds = array<i64: 128, 2048>}, {transform_indices = @transform_2, window_bounds = array<i64: 1024, 1>}, {transform_indices = @transform_3, window_bounds = array<i64: 1, 1>}]} {
    %eq3A = arith.constant 0 : i32
    %eq3A_0 = arith.cmpi eq, %arg0, %eq3A : i32
    %eq3A_1 = arith.constant 0 : i32
    %eq3A_2 = arith.cmpi eq, %arg1, %eq3A_1 : i32
    %and3A = arith.andi %eq3A_0, %eq3A_2 : i1
    %convert_element_type3A = arith.extui %and3A : i1 to i32
    %cond3A = arith.constant 0 : i32
    %cond3A_3 = arith.cmpi ne, %convert_element_type3A, %cond3A : i32
    scf.if %cond3A_3 {
      %iota3A = tpu.iota {dimensions = array<i32: 1>} : vector<1x2048xi32>
      %convert_element_type3A_52 = arith.sitofp %iota3A : vector<1x2048xi32> to vector<1x2048xf32>
      %swap3A = arith.constant 0 : index
      %swap3A_53 = arith.constant 0 : index
      %swap3A_54 = vector.load %arg9[%swap3A, %swap3A_53] : memref<1x2048xf32, #tpu.memory_space<vmem>>, vector<1x2048xf32>
      tpu.vector_store %arg9[%swap3A, %swap3A_53], %convert_element_type3A_52 {strides = array<i32>} : memref<1x2048xf32, #tpu.memory_space<vmem>>, vector<1x2048xf32>,
    } else {
    }
    %get3A = arith.constant 0 : index
    %get3A_4 = arith.constant 0 : index
    %get3A_5 = vector.load %arg2[%get3A, %get3A_4] : memref<1024x128xf32, #tpu.memory_space<vmem>>, vector<1024x128xf32>
    %get3A_6 = arith.constant 0 : index
    %get3A_7 = arith.constant 0 : index
    %get3A_8 = vector.load %arg3[%get3A_6, %get3A_7] : memref<128x2048xf32, #tpu.memory_space<vmem>>, vector<128x2048xf32>
    %convert_element_type3A_9 = arith.truncf %get3A_5 : vector<1024x128xf32> to vector<1024x128xbf16>
    %convert_element_type3A_10 = arith.extf %convert_element_type3A_9 : vector<1024x128xbf16> to vector<1024x128xf32>
    %add3A = arith.addf %convert_element_type3A_10, %convert_element_type3A_10 : vector<1024x128xf32>
    %dot_general3A = arith.constant dense<0.000000e+00> : vector<1024x2048xf32>
    %dot_general3A_11 = tpu.matmul %add3A, %get3A_8, %dot_general3A {dimension_numbers = #tpu.dot_dimension_numbers<[1], [0], [0], [1], [0, 0, 1, 1], [], []>, transpose_lhs_hint = false} : vector<1024x128xf32>, vector<128x2048xf32>, vector<1024x2048xf32> -> vector<1024x2048xf32>
    %mul3A = arith.mulf %get3A_5, %get3A_5 : vector<1024x128xf32>
    %reduce_sum3A = arith.constant dense<0.000000e+00> : vector<1024xf32>
    %reduce_sum3A_12 = vector.multi_reduction <add>, %mul3A, %reduce_sum3A [1] : vector<1024x128xf32> to vector<1024xf32>
    %broadcast_in_dim3A = vector.shape_cast %reduce_sum3A_12 : vector<1024xf32> to vector<1024x1xf32>
    %mul3A_13 = arith.mulf %get3A_8, %get3A_8 : vector<128x2048xf32>
    %reduce_sum3A_14 = arith.constant dense<0.000000e+00> : vector<2048xf32>
    %reduce_sum3A_15 = vector.multi_reduction <add>, %mul3A_13, %reduce_sum3A_14 [0] : vector<128x2048xf32> to vector<2048xf32>
    %broadcast_in_dim3A_16 = vector.shape_cast %reduce_sum3A_15 : vector<2048xf32> to vector<1x2048xf32>
    %sub3A = vector.broadcast %broadcast_in_dim3A : vector<1024x1xf32> to vector<1024x2048xf32>
    %sub3A_17 = arith.subf %sub3A, %dot_general3A_11 : vector<1024x2048xf32>
    %add3A_18 = vector.broadcast %broadcast_in_dim3A_16 : vector<1x2048xf32> to vector<1024x2048xf32>
    %add3A_19 = arith.addf %sub3A_17, %add3A_18 : vector<1024x2048xf32>
    %reduce_min3A = arith.constant dense<0x7F800000> : vector<1024xf32>
    %reduce_min3A_20 = vector.multi_reduction <minimumf>, %add3A_19, %reduce_min3A [1] : vector<1024x2048xf32> to vector<1024xf32>
    %broadcast_in_dim3A_21 = vector.shape_cast %reduce_min3A_20 : vector<1024xf32> to vector<1024x1xf32>
    %get3A_22 = arith.constant 0 : index
    %get3A_23 = arith.constant 0 : index
    %get3A_24 = vector.load %arg9[%get3A_22, %get3A_23] : memref<1x2048xf32, #tpu.memory_space<vmem>>, vector<1x2048xf32>
    %broadcast_in_dim3A_25 = vector.shape_cast %get3A_24 : vector<1x2048xf32> to vector<1x2048xf32>
    %broadcast_in_dim3A_26 = vector.broadcast %broadcast_in_dim3A_25 : vector<1x2048xf32> to vector<1024x2048xf32>
    %eq3A_27 = vector.broadcast %broadcast_in_dim3A_21 : vector<1024x1xf32> to vector<1024x2048xf32>
    %eq3A_28 = arith.cmpf oeq, %add3A_19, %eq3A_27 : vector<1024x2048xf32>
    %jit3A = arith.constant 3.000000e+38 : f32
    %broadcast_in_dim3A_29 = vector.broadcast %jit3A : f32 to vector<1024x2048xf32>
    %select_n3A = arith.select %eq3A_28, %broadcast_in_dim3A_26, %broadcast_in_dim3A_29 : vector<1024x2048xi1>, vector<1024x2048xf32>
    %reduce_min3A_30 = arith.constant dense<0x7F800000> : vector<1024xf32>
    %reduce_min3A_31 = vector.multi_reduction <minimumf>, %select_n3A, %reduce_min3A_30 [1] : vector<1024x2048xf32> to vector<1024xf32>
    %broadcast_in_dim3A_32 = vector.shape_cast %reduce_min3A_31 : vector<1024xf32> to vector<1024x1xf32>
    %convert_element_type3A_33 = arith.fptosi %broadcast_in_dim3A_32 : vector<1024x1xf32> to vector<1024x1xi32>
    %mul3A_34 = arith.constant 2048 : i32
    %mul3A_35 = arith.muli %arg1, %mul3A_34 : i32
    %add3A_36 = vector.broadcast %mul3A_35 : i32 to vector<1024x1xi32>
    %add3A_37 = arith.addi %convert_element_type3A_33, %add3A_36 : vector<1024x1xi32>
    %eq3A_38 = arith.constant 0 : i32
    %eq3A_39 = arith.cmpi eq, %arg1, %eq3A_38 : i32
    %convert_element_type3A_40 = arith.extui %eq3A_39 : i1 to i32
    %cond3A_41 = arith.constant 0 : i32
    %cond3A_42 = arith.cmpi ne, %convert_element_type3A_40, %cond3A_41 : i32
    scf.if %cond3A_42 {
      %swap3A = arith.constant 0 : index
      %swap3A_52 = arith.constant 0 : index
      %swap3A_53 = vector.load %arg6[%swap3A, %swap3A_52] : memref<1024x1xf32, #tpu.memory_space<vmem>>, vector<1024x1xf32>
      tpu.vector_store %arg6[%swap3A, %swap3A_52], %broadcast_in_dim3A_21 {strides = array<i32>} : memref<1024x1xf32, #tpu.memory_space<vmem>>, vector<1024x1xf32>,
      %swap3A_54 = arith.constant 0 : index
      %swap3A_55 = arith.constant 0 : index
      %swap3A_56 = vector.load %arg7[%swap3A_54, %swap3A_55] : memref<1024x1xi32, #tpu.memory_space<vmem>>, vector<1024x1xi32>
      tpu.vector_store %arg7[%swap3A_54, %swap3A_55], %add3A_37 {strides = array<i32>} : memref<1024x1xi32, #tpu.memory_space<vmem>>, vector<1024x1xi32>,
    } else {
    }
    %gt3A = arith.constant 0 : i32
    %gt3A_43 = arith.cmpi sgt, %arg1, %gt3A : i32
    %convert_element_type3A_44 = arith.extui %gt3A_43 : i1 to i32
    %cond3A_45 = arith.constant 0 : i32
    %cond3A_46 = arith.cmpi ne, %convert_element_type3A_44, %cond3A_45 : i32
    scf.if %cond3A_46 {
      %get3A_52 = arith.constant 0 : index
      %get3A_53 = arith.constant 0 : index
      %get3A_54 = vector.load %arg6[%get3A_52, %get3A_53] : memref<1024x1xf32, #tpu.memory_space<vmem>>, vector<1024x1xf32>
      %convert_element_type3A_55 = arith.truncf %get3A_54 : vector<1024x1xf32> to vector<1024x1xbf16>
      %convert_element_type3A_56 = arith.extf %convert_element_type3A_55 : vector<1024x1xbf16> to vector<1024x1xf32>
      %lt3A = arith.cmpf olt, %broadcast_in_dim3A_21, %convert_element_type3A_56 : vector<1024x1xf32>
      %get3A_57 = arith.constant 0 : index
      %get3A_58 = arith.constant 0 : index
      %get3A_59 = vector.load %arg7[%get3A_57, %get3A_58] : memref<1024x1xi32, #tpu.memory_space<vmem>>, vector<1024x1xi32>
      %select_n3A_60 = arith.select %lt3A, %add3A_37, %get3A_59 : vector<1024x1xi1>, vector<1024x1xi32>
      %swap3A = arith.constant 0 : index
      %swap3A_61 = arith.constant 0 : index
      %swap3A_62 = vector.load %arg7[%swap3A, %swap3A_61] : memref<1024x1xi32, #tpu.memory_space<vmem>>, vector<1024x1xi32>
      tpu.vector_store %arg7[%swap3A, %swap3A_61], %select_n3A_60 {strides = array<i32>} : memref<1024x1xi32, #tpu.memory_space<vmem>>, vector<1024x1xi32>,
      %get3A_63 = arith.constant 0 : index
      %get3A_64 = arith.constant 0 : index
      %get3A_65 = vector.load %arg6[%get3A_63, %get3A_64] : memref<1024x1xf32, #tpu.memory_space<vmem>>, vector<1024x1xf32>
      %select_n3A_66 = arith.select %lt3A, %broadcast_in_dim3A_21, %get3A_65 : vector<1024x1xi1>, vector<1024x1xf32>
      %swap3A_67 = arith.constant 0 : index
      %swap3A_68 = arith.constant 0 : index
      %swap3A_69 = vector.load %arg6[%swap3A_67, %swap3A_68] : memref<1024x1xf32, #tpu.memory_space<vmem>>, vector<1024x1xf32>
      tpu.vector_store %arg6[%swap3A_67, %swap3A_68], %select_n3A_66 {strides = array<i32>} : memref<1024x1xf32, #tpu.memory_space<vmem>>, vector<1024x1xf32>,
    } else {
    }
    %eq3A_47 = arith.constant 3 : i32
    %eq3A_48 = arith.cmpi eq, %arg1, %eq3A_47 : i32
    %convert_element_type3A_49 = arith.extui %eq3A_48 : i1 to i32
    %cond3A_50 = arith.constant 0 : i32
    %cond3A_51 = arith.cmpi ne, %convert_element_type3A_49, %cond3A_50 : i32
    scf.if %cond3A_51 {
      %get3A_52 = arith.constant 0 : index
      %get3A_53 = arith.constant 0 : index
      %get3A_54 = vector.load %arg7[%get3A_52, %get3A_53] : memref<1024x1xi32, #tpu.memory_space<vmem>>, vector<1024x1xi32>
      %swap3A = arith.constant 0 : index
      %swap3A_55 = arith.constant 0 : index
      %swap3A_56 = vector.load %arg4[%swap3A, %swap3A_55] : memref<1024x1xi32, #tpu.memory_space<vmem>>, vector<1024x1xi32>
      tpu.vector_store %arg4[%swap3A, %swap3A_55], %get3A_54 {strides = array<i32>} : memref<1024x1xi32, #tpu.memory_space<vmem>>, vector<1024x1xi32>,
      %get3A_57 = arith.constant 0 : index
      %get3A_58 = arith.constant 0 : index
      %get3A_59 = vector.load %arg6[%get3A_57, %get3A_58] : memref<1024x1xf32, #tpu.memory_space<vmem>>, vector<1024x1xf32>
      %reduce_sum3A_60 = vector.shape_cast %get3A_59 : vector<1024x1xf32> to vector<1x1024x1xf32>
      %reduce_sum3A_61 = arith.constant dense<0.000000e+00> : vector<1xf32>
      %reduce_sum3A_62 = vector.multi_reduction <add>, %reduce_sum3A_60, %reduce_sum3A_61 [1, 2] : vector<1x1024x1xf32> to vector<1xf32>
      %reduce_sum3A_63 = vector.shape_cast %reduce_sum3A_62 : vector<1xf32> to vector<1x1x1xf32>
      %reduce_sum3A_64 = vector.extract %reduce_sum3A_63[0, 0, 0] : f32 from vector<1x1x1xf32>
      %eq3A_65 = arith.constant 0 : i32
      %eq3A_66 = arith.cmpi eq, %arg0, %eq3A_65 : i32
      %convert_element_type3A_67 = arith.extui %eq3A_66 : i1 to i32
      %cond3A_68 = arith.constant 0 : i32
      %cond3A_69 = arith.cmpi ne, %convert_element_type3A_67, %cond3A_68 : i32
      scf.if %cond3A_69 {
        %swap3A_80 = arith.constant 0 : index
        %swap3A_81 = arith.constant 0 : index
        %swap3A_82 = memref.load %arg8[%swap3A_80, %swap3A_81] : memref<1x1xf32, #tpu.memory_space<smem>>
        memref.store %reduce_sum3A_64, %arg8[%swap3A_80, %swap3A_81] : memref<1x1xf32, #tpu.memory_space<smem>>
      } else {
      }
      %gt3A_70 = arith.constant 0 : i32
      %gt3A_71 = arith.cmpi sgt, %arg0, %gt3A_70 : i32
      %convert_element_type3A_72 = arith.extui %gt3A_71 : i1 to i32
      %cond3A_73 = arith.constant 0 : i32
      %cond3A_74 = arith.cmpi ne, %convert_element_type3A_72, %cond3A_73 : i32
      scf.if %cond3A_74 {
        %get3A_80 = arith.constant 0 : index
        %get3A_81 = arith.constant 0 : index
        %get3A_82 = memref.load %arg8[%get3A_80, %get3A_81] : memref<1x1xf32, #tpu.memory_space<smem>>
        %add3A_83 = arith.addf %get3A_82, %reduce_sum3A_64 : f32
        %swap3A_84 = arith.constant 0 : index
        %swap3A_85 = arith.constant 0 : index
        %swap3A_86 = memref.load %arg8[%swap3A_84, %swap3A_85] : memref<1x1xf32, #tpu.memory_space<smem>>
        memref.store %add3A_83, %arg8[%swap3A_84, %swap3A_85] : memref<1x1xf32, #tpu.memory_space<smem>>
      } else {
      }
      %eq3A_75 = arith.constant 7 : i32
      %eq3A_76 = arith.cmpi eq, %arg0, %eq3A_75 : i32
      %convert_element_type3A_77 = arith.extui %eq3A_76 : i1 to i32
      %cond3A_78 = arith.constant 0 : i32
      %cond3A_79 = arith.cmpi ne, %convert_element_type3A_77, %cond3A_78 : i32
      scf.if %cond3A_79 {
        %get3A_80 = arith.constant 0 : index
        %get3A_81 = arith.constant 0 : index
        %get3A_82 = memref.load %arg8[%get3A_80, %get3A_81] : memref<1x1xf32, #tpu.memory_space<smem>>
        %swap3A_83 = arith.constant 0 : index
        %swap3A_84 = arith.constant 0 : index
        %swap3A_85 = memref.load %arg5[%swap3A_83, %swap3A_84] : memref<1x1xf32, #tpu.memory_space<smem>>
        memref.store %get3A_82, %arg5[%swap3A_83, %swap3A_84] : memref<1x1xf32, #tpu.memory_space<smem>>
      } else {
      }
    } else {
    }
    return
  }
  func.func @transform_0(%arg0: i32, %arg1: i32) -> (i32, i32) {
    %c0_i32 = arith.constant 0 : i32
    %c0_i32_0 = arith.constant 0 : i32
    return %arg0, %c0_i32 : i32, i32
  }
  func.func @transform_1(%arg0: i32, %arg1: i32) -> (i32, i32) {
    %c0_i32 = arith.constant 0 : i32
    %c0_i32_0 = arith.constant 0 : i32
    return %c0_i32, %arg1 : i32, i32
  }
  func.func @transform_2(%arg0: i32, %arg1: i32) -> (i32, i32) {
    %c0_i32 = arith.constant 0 : i32
    %c0_i32_0 = arith.constant 0 : i32
    return %arg0, %c0_i32 : i32, i32
  }
  func.func @transform_3(%arg0: i32, %arg1: i32) -> (i32, i32) {
    %c0_i32 = arith.constant 0 : i32
    %c0_i32_0 = arith.constant 0 : i32
    %c0_i32_1 = arith.constant 0 : i32
    return %c0_i32, %c0_i32_0 : i32, i32
  }
}

</mosaic_0001>

<sc_bundles>
// kernel: kernel.4.cloned.1.call-start
scs
__scs_entry_jumppad:
0x0: {  	(pc) =	sbr.rel $0x88, $3  }
0x1: {  	(tag) =	ssettag $0x0;
	lr =	simm.s32 $0x1  }
0x2: {  	[smem:$0x3F9F] =	sst lr;
	_ =	strace $0xD0000000  }
0x3: {  	_ = 	snop  }
0x4: {  	_ = 	snop  }
0x5: {  	_ = 	snop  }
0x6: {  	_ = 	snop  }
0x7: {  	_ = 	snop  }
__scs_overlays_trampoline_lowered:
0x8: {  	[smem:$0x3FAE] =	sst s0  }
0x9: {  	[smem:$0x3FAF] =	sst s1  }
0xa: {  	[smem:$0x3FB0] =	sst s2  }
0xb: {  	[smem:$0x3FB1] =	sst s3  }
0xc: {  	[smem:$0x3FB2] =	sst s4  }
0xd: {  	[smem:$0x3FB3] =	sst s5  }
0xe: {  	[smem:$0x3FB4] =	sst s6  }
0xf: {  	[smem:$0x3FB5] =	sst s7  }
0x10: {  	[smem:$0x3FB6] =	sst s8  }
0x11: {  	[smem:$0x3FB7] =	sst s9;
	s0 =	simm.s32 @!p0 $0x0  }
0x12: {  	s1 =	sld [smem:$0x3F9D];
	s0 =	simm.s32 @p0 $0x1  }
0x13: {  	[smem:$0x3FB8] =	sst s0;
	s0 =	simm.s32 @!p1 $0x0  }
0x14: {  	s2 =	sld [smem:$0x3F9C];
	s0 =	simm.s32 @p1 $0x1  }
0x15: {  	[smem:$0x3FB9] =	sst s0;
	s0 =	simm.s32 @!p2 $0x0  }
0x16: {  	s3 =	sld [smem:$0x3FDB];
	s0 =	simm.s32 @p2 $0x1  }
0x17: {  	s4 =	simm.s32 $0x1BF5;
	[smem:$0x3FBB] =	sst s0  }
0x18: {  	s0 =	sld [smem:$0x3F9E];
	_ =	swait.ge [sflag:s4], $0x0  }
0x19: {  	s7 =	sld [smem:$0x3F9F]  }
0x1a: {  	s8 =	sadd.s32 $0xFFFFE003, lr  }
0x1b: {  	s9 =	sadd.s32 $0xFFFFFEF7, lr;
	s5 =	simm.s32 $0xFFFFFFFF;
	p2 =	slt.u32 s8, $0xFFFFF086  }
0x1c: {  	p1 =	slt.u32 s9, $0xF7A;
	s5 =	simm.s32 @!p2 $0x0  }
0x1d: {  	s5 =	simm.s32 @p1 $0x1;
	p0 =	seq.s32 s7, s2  }
0x1e: {  	s7 =	smul.u32 @!p0 $0xF7A, s2;
	p2 =	seq.s32 @!p0 s5, $0x0  }
0x1f: {  	s9 =	smul.u32 $0xF7A, s1;
	s8 =	simm.s32 @!p0 $0x1BF5;
	p2 =	por !p2, p0  }
0x20: {  	[sflag:s8] =	ssyncset.s32 @!p0 $0xFFFFF086;
	s6 =	sadd.s32 @!p0 s3, s7;
	s7 =	simm.s32 @!p0 $0x108  }
0x21: {  	s3 =	sadd.s32 s3, s9;
	s6 =	sadd.s32 @!p0 $0x88, s6;
	s7 =	simm.s32 @p2 $0x1082  }
0x22: {  	[simem:s7], [sflag:s8] =	dma.local @!p0 [hbm:s6], $0xF7A  }
0x23: {  	s9 =	sor.u32 $0xD0000000, s2;
	s6 =	simm.s32 $0x108;
	_ =	swait.ge @!p0 [sflag:s8], $0x0  }
0x24: {  	s3 =	sadd.s32 $0x88, s3;
	s6 =	simm.s32 @!p1 $0x1082;
	[sflag:s4] =	ssyncset.s32 $0xFFFFF086  }
0x25: {  	[simem:s6], [sflag:s4] =	dma.local [hbm:s3], $0xF7A  }
0x26: {  	[smem:$0x3F9F] =	sst s1;
	(tag) =	ssettag s2;
	_ =	strace s9  }
0x27: {  	s1 =	sld [smem:$0x3FAF]  }
0x28: {  	s2 =	sld [smem:$0x3FB0]  }
0x29: {  	s4 =	sld [smem:$0x3FB2]  }
0x2a: {  	p0 =	seq.s32 s5, $0x0;
	s5 =	sld [smem:$0x3FB3]  }
0x2b: {  	s6 =	sld [smem:$0x3FB4]  }
0x2c: {  	s7 =	sld [smem:$0x3FB5]  }
0x2d: {  	s3 =	simm.s32 $0x108;
	s8 =	sld [smem:$0x3FB6]  }
0x2e: {  	s3 =	simm.s32 @!p0 $0x1082;
	s9 =	sld [smem:$0x3FB7]  }
0x2f: {  	lr =	sadd.s32 s0, s3;
	s0 =	sld [smem:$0x3FAE]  }
0x30: {  	s3 =	sld [smem:$0x3FB1]  }
0x31: {  	[smem:$0x3FBA] =	sst s10  }
0x32: {  	s10 =	sld [smem:$0x3FB8];
	_ =	sdelay $0x3  }
0x33: {  	p0 =	seq.s32 s10, $0x1;
	s10 =	sld [smem:$0x3FBA];
	_ =	sdelay $0x3  }
0x34: {  	[smem:$0x3FBA] =	sst s10  }
0x35: {  	s10 =	sld [smem:$0x3FB9];
	_ =	sdelay $0x3  }
0x36: {  	p1 =	seq.s32 s10, $0x1;
	s10 =	sld [smem:$0x3FBA];
	_ =	sdelay $0x3  }
0x37: {  	[smem:$0x3FBA] =	sst s10  }
0x38: {  	s10 =	sld [smem:$0x3FBB]  }
0x39: {  	_ = 	snop;
	(pc) =	sbr.ind lr, $3  }
0x3a: {  	_ = 	snop  }
0x3b: {  	_ = 	snop  }
0x3c: {  	p2 =	seq.s32 s10, $0x1;
	s10 =	sld [smem:$0x3FBA]  }
0x3d: {  	_ =	shalt  }
0x3e: {  	_ =	shalt  }
0x3f: {  	_ =	shalt  }
0x40: {  	_ =	shalt  }
0x41: {  	_ =	shalt  }
0x42: {  	_ =	shalt  }
0x43: {  	_ =	shalt  }
0x44: {  	_ =	shalt  }
0x45: {  	_ =	shalt  }
0x46: {  	_ =	shalt  }
0x47: {  	_ =	shalt  }
0x48: {  	_ =	shalt  }
0x49: {  	_ =	shalt  }
0x4a: {  	_ =	shalt  }
0x4b: {  	_ =	shalt  }
0x4c: {  	_ =	shalt  }
0x4d: {  	_ =	shalt  }
0x4e: {  	_ =	shalt  }
0x4f: {  	_ =	shalt  }
0x50: {  	_ =	shalt  }
0x51: {  	_ =	shalt  }
0x52: {  	_ =	shalt  }
0x53: {  	_ =	shalt  }
0x54: {  	_ =	shalt  }
0x55: {  	_ =	shalt  }
0x56: {  	_ =	shalt  }
0x57: {  	_ =	shalt  }
0x58: {  	_ =	shalt  }
0x59: {  	_ =	shalt  }
0x5a: {  	_ =	shalt  }
0x5b: {  	_ =	shalt  }
0x5c: {  	_ =	shalt  }
0x5d: {  	_ =	shalt  }
0x5e: {  	_ =	shalt  }
0x5f: {  	_ =	shalt  }
0x60: {  	_ =	shalt  }
0x61: {  	_ =	shalt  }
0x62: {  	_ =	shalt  }
0x63: {  	_ =	shalt  }
0x64: {  	_ =	shalt  }
0x65: {  	_ =	shalt  }
0x66: {  	_ =	shalt  }
0x67: {  	_ =	shalt  }
0x68: {  	_ =	shalt  }
0x69: {  	_ =	shalt  }
0x6a: {  	_ =	shalt  }
0x6b: {  	_ =	shalt  }
0x6c: {  	_ =	shalt  }
0x6d: {  	_ =	shalt  }
0x6e: {  	_ =	shalt  }
0x6f: {  	_ =	shalt  }
0x70: {  	_ =	shalt  }
0x71: {  	_ =	shalt  }
0x72: {  	_ =	shalt  }
0x73: {  	_ =	shalt  }
0x74: {  	_ =	shalt  }
0x75: {  	_ =	shalt  }
0x76: {  	_ =	shalt  }
0x77: {  	_ =	shalt  }
0x78: {  	_ =	shalt  }
0x79: {  	_ =	shalt  }
0x7a: {  	_ =	shalt  }
0x7b: {  	_ =	shalt  }
0x7c: {  	_ =	shalt  }
0x7d: {  	_ =	shalt  }
0x7e: {  	_ =	shalt  }
0x7f: {  	_ =	shalt  }
0x80: {  	_ =	shalt  }
0x81: {  	_ =	shalt  }
0x82: {  	_ =	shalt  }
0x83: {  	_ =	shalt  }
0x84: {  	_ =	shalt  }
0x85: {  	_ =	shalt  }
0x86: {  	_ =	shalt  }
0x87: {  	_ =	shalt  }
.Lfunc_end0:
.L_simem_size_0:
called_computation_lowered:
.L_overlay_start_0:
0x88: {  	s2 =	sld [smem:$0x3FD9]  }
0x89: {  	s3 =	sld [smem:$0x3FFE];
	_ =	sdelay $0x1  }
0x8a: {  	s1 =	srdreg.scid  }
0x8b: {  	s0 =	sand.u32 $0x1, s1  }
0x8c: {  	s14 =	sshll.u32 s0, $0xA;
	s2 =	sadd.s32 s3, s2  }
0x8d: {  	s2 =	sadd.s32 s2, s14  }
0x8e: {  	[smem:$0x3FC6] =	sst s2  }
0x8f: {  	_ = 	snop  }
0x90: {  	s2 =	sld [smem:$0x3FD0];
	_ =	sdelay $0x2  }
0x91: {  	s15 =	simm.s32 $0xA;
	s4 =	simm.s32 $0x10  }
0x92: {  	[smem:s4], [sflag:s15] =	dma.local [hbm:s2], $0x1  }
0x93: {  	_ =	swait.eq [sflag:s15], $0x1  }
0x94: {  	[sflag:s15] =	ssyncset.done $0x0  }
0x95: {  	[sflag:s15] =	ssyncadd.s32 $0xFFFFFFFF  }
0x96: {  	s16 =	sld [smem:$0x10];
	(tm) =	ssettm $0x1  }
0x97: {  	s17 =	sld [smem:$0x3FFB];
	_ =	sdelay $0x3  }
0x98: {  	_ =	strace s17  }
0x99: {  	s3 =	sld [smem:$0x3FFC];
	_ =	sdelay $0x3  }
0x9a: {  	_ =	strace s3  }
0x9b: {  	s3 =	sld [smem:$0x3FFD];
	_ =	sdelay $0x3  }
0x9c: {  	_ =	strace s3  }
0x9d: {  	_ =	strace $0x8FFFFFFF  }
0x9e: {  	s18 =	sld [smem:$0x3FDB];
	_ =	sdelay $0x1  }
0x9f: {  	s19 =	simm.s32 $_scs_section_size  }
0xa0: {  	s5 =	simm.s32 $_size__tile_overlayer_lowered;
	s6 =	simm.s32 $_tile_overlayer_lowered  }
0xa1: {  	s22 =	simm.s32 $0x1BFF;
	s21 =	sshll.u32 s6, $0x1;
	s3 =	sadd.s32 s19, s18  }
0xa2: {  	s7 =	simm.s32 $0x0;
	s20 =	sshll.u32 s5, $0x1;
	s5 =	sadd.s32 s21, s3  }
0xa3: {  	[timem:s7], [sflag:s22] =	dma.local [hbm:s5], s20  }
0xa4: {  	_ =	swait.ge [sflag:s22], s20  }
0xa5: {  	s4 =	ssub.s32 $0x0, s20;
	[sflag:s22] =	ssyncset.done $0x0  }
0xa6: {  	[sflag:s22] =	ssyncadd.s32 s4;
	_ =	sdelay $0x1  }
0xa7: {  	s23 =	simm.s32 $0x1B8B  }
0xa8: {  	_ =	swait.ge [sflag:s23], $0x1  }
0xa9: {  	[sflag:s23] =	ssyncset.done $0x0  }
0xaa: {  	s25 =	simm.s32 $0x1B8E;
	s24 =	sld [smem:$0x3FFE];
	[sflag:s23] =	ssyncadd.s32 $0xFFFFFFFF  }
0xab: {  	s26 =	simm.s32 $execute0_lowered;
	[smem:$0x3FD2] =	sst s25  }
0xac: {  	s5 =	sshll.u32 s26, $0x1;
	_ =	strace $0x80000046;
	[dreg:$0x1] =	wrdreg $0xFFFFFFFF  }
0xad: {  	s28 =	simm.s32 $_size_execute0_lowered;
	s3 =	sadd.s32 s3, s5;
	[dreg:$0x0] =	wrdreg $0x0  }
0xae: {  	s5 =	sshll.u32 s28, $0x1;
	[dreg:$0x2] =	wrdreg s3  }
0xaf: {  	[dreg:$0x3] =	wrdreg s5  }
0xb0: {  	[dreg:$0x4] =	wrdreg $0xC0  }
0xb1: {  	_ =	task [dreg:s7], $0x5FFFF  }
0xb2: {  	[dreg:$0x1] =	wrdreg $0xFFFFFFFF  }
0xb3: {  	[dreg:$0x0] =	wrdreg $0x60  }
0xb4: {  	[dreg:$0x2] =	wrdreg s16  }
0xb5: {  	[dreg:$0x3] =	wrdreg s24  }
0xb6: {  	[dreg:$0x4] =	wrdreg $0x9  }
0xb7: {  	_ =	task.clear_ibuf [dreg:s7], $0x5FFFF;
	_ =	strace $0x90000046  }
0xb8: {  	s29 =	simm.s32 $0x9;
	_ =	strace $0x80000048  }
0xb9: {  	_ =	swait.ge [sflag:s29], $0x1  }
0xba: {  	[sflag:s29] =	ssyncadd.s32 $0xFFFFFFFF  }
0xbb: {  	_ =	strace $0x90000048  }
0xbc: {  	_ =	sfence  }
0xbd: {  	s30 =	sld [smem:$0x0];
	_ =	sdelay $0x2  }
0xbe: {  	s31 =	sshll.u32 s1, $0xD;
	s1 =	sshrl.u32 s1, $0x2  }
0xbf: {  	s3 =	sand.u32 $0x4000, s31;
	s1 =	sadd.s32 s1, s30  }
0xc0: {  	s0 =	sor.u32 s3, s0;
	s1 =	sshll.u32 s1, $0x11  }
0xc1: {  	s0 =	sor.u32 s1, s0  }
0xc2: {  	s0 =	sadd.s32 $0x8F2B, s0  }
0xc3: {  	[sflag:s0] =	ssyncadd.remote.s32 $0x1  }
0xc4: {  	_ =	sfence.sel $0xFFFF  }
0xc5: {  	[dreg:$0x0] =	wrdreg $0xFFFFFFFF;
	(pc) =	sbr.abs _section_cstart, $3  }
0xc6: {  	[dreg:$0x1] =	wrdreg $0xFFFFFFFF  }
0xc7: {  	_ =	task.clear_ibuf [dreg:s7], $0x2FFFF;
	_ =	strace $0x9FFFFFFF  }
0xc8: {  	(tm) =	ssettm $0x7FFFFFFF  }
0xc9: {  	_ =	shalt  }
tec
execute0_lowered:
.L_overlay_start_1:
0x0: {  	(tag) =	ssettag $0x1  }
0x1: {  	s1 =	srdreg.scid  }
0x2: {  	s0 =	stileid.u32;
	s10 =	sand.u32 $0x1, s1  }
0x3: {  	s2 =	rddreg [dreg:$0x0];
	s30 =	sshll.u32 s0, $0x9;
	s3 =	sshll.u32 s10, $0x8  }
0x4: {  	s9 =	rddreg [dreg:$0x1];
	s11 =	sor.u32 s3, s30  }
0x5: {  	s1 =	rddreg [dreg:$0x2];
	s3 =	simm.s32 $0x0;
	s4 =	sshrl.u32 s11, $0x3  }
0x6: {  	[smem:$0x7FF] =	sst s3;
	s4 =	sadd.s32 s4, s9  }
0x7: {  	_ =	strace $0x80000047;
	s5 =	sadd.s32 $0x600, s4;
	s4 =	simm.s32 $0x2  }
0x8: {  	[tilespmem:s3], [sflag:$0x2] =	stream.linear.gather [hbm4b:s5+s3], $0x100, $0x38;
	[tilespmem:$0x4100] =	vst v63  }
0x9: {  	_ =	swait.ge [sflag:s4], $0x100  }
0xa: {  	s6 =	simm.s32 $0x80;
	[sflag:s4] =	ssyncset.done $0x0  }
0xb: {  	s7 =	simm.s32 $0x100;
	s8 =	simm.s32 $0x1;
	[sflag:s4] =	ssyncadd.s32 $0xFFFFFF00  }
0xc: {  	[tilespmem:s7], [sflag:$0x1] =	stream.indirect.gather [hbm4b:s2+s6], $0x80, s3, s6, $0xb8;
	[tilespmem:$0x4100] =	vst v63  }
0xd: {  	s11 =	sshll.u32 s11, $0x4;
	_ =	swait.ge [sflag:s8], $0x4000  }
0xe: {  	s11 =	sadd.s32 s11, s9;
	[sflag:s8] =	ssyncset.done $0x0  }
0xf: {  	s10 =	ssub.s32 $0x2, s10;
	s9 =	sadd.s32 $0xA00, s11;
	[sflag:s8] =	ssyncadd.s32 $0xFFFFC000  }
0x10: {  	[hbm4b:s9+s3] =	stream.linear.scatter [tilespmem:s7], [sflag:$0x2], $0x4000, $0x38;
	[tilespmem:$0x4100] =	vst v63  }
0x11: {  	s12 =	sshrl.u32 s10, $0x1;
	_ =	swait.ge [sflag:s4], $0x4000  }
0x12: {  	s12 =	ssub.s32 s10, s12;
	[sflag:s4] =	ssyncset.done $0x0  }
0x13: {  	s31 =	smax.u32 s12, $0x1;
	[sflag:s4] =	ssyncadd.s32 $0xFFFFC000  }
0x14: {  	[tilespmem:s7], [sflag:$0x1] =	stream.indirect.gather [hbm4b:s2+s6], $0x80, s6, s6, $0xb8;
	[tilespmem:$0x4100] =	vst v63  }
0x15: {  	p0 =	sne.s32 s31, $0x1;
	_ =	swait.ge [sflag:s8], $0x4000  }
.Ltmp0:
0x16: {  	[sflag:s8] =	ssyncset.done $0x0;
	(pc) =	sbr.rel @!p0 .LBB2_2-.Ltmp0, $4  }
0x17: {  	s10 =	sadd.s32 $0x1200, s11;
	[sflag:s8] =	ssyncadd.s32 $0xFFFFC000  }
0x18: {  	[hbm4b:s10+s3] =	stream.linear.scatter [tilespmem:s7], [sflag:$0x2], $0x4000, $0x38;
	[tilespmem:$0x4100] =	vst v63  }
0x19: {  	_ =	swait.ge [sflag:s4], $0x4000  }
0x1a: {  	s11 =	sadd.s32 $0xFFFFFFFF, s31;
	[sflag:s4] =	ssyncset.done $0x0  }
.LBB2_1:
0x1b: {  	p0 =	sne.s32 s11, $0x1;
	s11 =	sadd.s32 $0xFFFFFFFF, s11;
	[sflag:s4] =	ssyncadd.s32 $0xFFFFC000  }
0x1c: {  	[tilespmem:s3], [sflag:$0x2] =	stream.linear.gather [hbm4b:s5+s3], $0x100, $0x38;
	[tilespmem:$0x4100] =	vst v63  }
0x1d: {  	_ =	swait.ge [sflag:s4], $0x100  }
0x1e: {  	[sflag:s4] =	ssyncset.done $0x0  }
0x1f: {  	[sflag:s4] =	ssyncadd.s32 $0xFFFFFF00  }
0x20: {  	[tilespmem:s7], [sflag:$0x1] =	stream.indirect.gather [hbm4b:s2+s6], $0x80, s3, s6, $0xb8;
	[tilespmem:$0x4100] =	vst v63  }
0x21: {  	_ =	swait.ge [sflag:s8], $0x4000  }
0x22: {  	[sflag:s8] =	ssyncset.done $0x0  }
0x23: {  	[sflag:s8] =	ssyncadd.s32 $0xFFFFC000  }
0x24: {  	[hbm4b:s9+s3] =	stream.linear.scatter [tilespmem:s7], [sflag:$0x2], $0x4000, $0x38;
	[tilespmem:$0x4100] =	vst v63  }
0x25: {  	_ =	swait.ge [sflag:s4], $0x4000  }
0x26: {  	[sflag:s4] =	ssyncset.done $0x0  }
0x27: {  	[sflag:s4] =	ssyncadd.s32 $0xFFFFC000  }
0x28: {  	[tilespmem:s7], [sflag:$0x1] =	stream.indirect.gather [hbm4b:s2+s6], $0x80, s6, s6, $0xb8;
	[tilespmem:$0x4100] =	vst v63  }
0x29: {  	_ =	swait.ge [sflag:s8], $0x4000  }
.Ltmp1:
0x2a: {  	[sflag:s8] =	ssyncset.done $0x0;
	(pc) =	sbr.rel @p0 .LBB2_1-.Ltmp1, $4  }
0x2b: {  	[sflag:s8] =	ssyncadd.s32 $0xFFFFC000  }
0x2c: {  	[hbm4b:s10+s3] =	stream.linear.scatter [tilespmem:s7], [sflag:$0x2], $0x4000, $0x38;
	[tilespmem:$0x4100] =	vst v63  }
0x2d: {  	_ =	swait.ge [sflag:s4], $0x4000  }
0x2e: {  	[sflag:s4] =	ssyncset.done $0x0  }
.LBB2_2:
0x2f: {  	[sflag:s4] =	ssyncadd.s32 $0xFFFFC000  }
0x30: {  	_ =	sfence.sel $0x180000  }
0x31: {  	[bflag:$0x0] =	sbarrier.arrive $0xFFFF  }
0x32: {  	p0 =	sne.s32 s0, $0x0;
	_ =	strace $0x90000047  }
0x33: {  	s0 =	sadd.s32 @!p0 $0x100000, s1;
	[bflag:$0x2] =	sbarrier.arrive $0xFFFF  }
0x34: {  	[sflag:s0] =	ssyncadd.tile.s32 @!p0 $0x1;
	_ =	shalt  }
.Lfunc_end2:
_tile_overlayer_lowered:
.L_overlay_start_2:
0x35: {  	(tag) =	ssettag $0x2  }
0x36: {  	s0 =	rddreg [dreg:$0x0];
	s2 =	stileid.u32  }
0x37: {  	s1 =	rddreg [dreg:$0x1];
	p0 =	sne.s32 s2, $0x0  }
0x38: {  	s3 =	rddreg [dreg:$0x2];
	[bflag:$0x3] =	sbarrier.arrive $0xFFFF;
	s2 =	simm.s32 @!p0 $0x1C02  }
0x39: {  	[timem:s3], [sflag:s2] =	dma.local @!p0 [hbm:s0], s1  }
0x3a: {  	s0 =	simm.s32 @!p0 $0x2  }
0x3b: {  	_ =	swait.ge @!p0 [sflag:s0], s1  }
0x3c: {  	s1 =	ssub.s32 @!p0 $0x0, s1;
	[sflag:s0] =	ssyncset.done @!p0 $0x0  }
0x3d: {  	[sflag:s0] =	ssyncadd.s32 @!p0 s1  }
0x3e: {  	[bflag:$0x3] =	sbarrier.arrive $0xFFFF  }
0x3f: {  	_ =	shalt  }

</sc_bundles>
